<compile_context>
chip_gen: v7x
topology: tpu7x:2x2x1
jax: 0.10.2.dev20260603
libtpu: 0.0.44.dev20260713+nightly
codegen_flags: <defaults>
</compile_context>

<pallas_src>
import functools

import jax
import jax.numpy as jnp
from jax import lax
from jax.experimental import pallas as pl
from jax.experimental.pallas import tpu as pltpu
from jax.experimental.pallas import tpu_sc as plsc

_B, _C, _H, _W, _K = 16, 2, 128, 128, 128
_HW = _H * _W
_L = 16
_PAD = 128


def _loss_body(outflat, ind, maskf, targf, out,
               ind_v, idx0_v, idx1_v, pred0_v, pred1_v,
               mask_v, targ_v, part2_v, gath_v, out_v, shared,
               sem_i, sem_m, sem_t, sem_g):
    cid = lax.axis_index("c")
    sid = lax.axis_index("s")
    b = sid

    @pl.when(cid == 0)
    def _core0():
        _tile_work(outflat, ind, maskf, targf, out, b, sid,
                   ind_v, idx0_v, idx1_v, pred0_v, pred1_v,
                   mask_v, targ_v, part2_v, gath_v, out_v, shared,
                   sem_i, sem_m, sem_t, sem_g)


def _tile_work(outflat, ind, maskf, targf, out, b, sid,
               ind_v, idx0_v, idx1_v, pred0_v, pred1_v,
               mask_v, targ_v, part2_v, gath_v, out_v, shared,
               sem_i, sem_m, sem_t, sem_g):
    di = pltpu.async_copy(ind.at[b], ind_v, sem_i)
    dm = pltpu.async_copy(maskf.at[b], mask_v, sem_m)
    dt = pltpu.async_copy(targf.at[b], targ_v, sem_t)
    di.wait()

    base0 = (2 * b) * _HW
    iota = lax.broadcasted_iota(jnp.int32, (_L,), 0)
    kidx0 = iota // 2
    choff = (iota % 2) * _HW
    def _build(j, _):
        vals0 = plsc.load_gather(ind_v, [8 * j + kidx0])
        idx0_v[pl.ds(j * _L, _L)] = vals0 + (choff + base0)
        vals1 = plsc.load_gather(ind_v, [64 + 8 * j + kidx0])
        idx1_v[pl.ds(j * _L, _L)] = vals1 + (choff + base0)
        return 0
    lax.fori_loop(0, 8, _build, 0, unroll=False)
    d0 = pltpu.async_copy(outflat.at[idx0_v], pred0_v, sem_g)
    d1 = pltpu.async_copy(outflat.at[idx1_v], pred1_v, sem_g)

    dm.wait()

    def _msum(i, acc):
        return acc + mask_v[pl.ds(i * _L, _L)]
    accm = lax.fori_loop(0, _K * _C // _L, _msum,
                         jnp.zeros((_L,), jnp.float32), unroll=False)
    dt.wait()
    d0.wait()
    d1.wait()

    def _lsum(i, acc):
        p0 = pred0_v[pl.ds(i * _L, _L)]
        m0 = mask_v[pl.ds(i * _L, _L)]
        t0 = targ_v[pl.ds(i * _L, _L)]
        p1 = pred1_v[pl.ds(i * _L, _L)]
        m1 = mask_v[pl.ds(128 + i * _L, _L)]
        t1 = targ_v[pl.ds(128 + i * _L, _L)]
        return acc + jnp.abs(p0 * m0 - t0 * m0) + jnp.abs(p1 * m1 - t1 * m1)
    accl = lax.fori_loop(0, _K * _C // (2 * _L), _lsum,
                         jnp.zeros((_L,), jnp.float32), unroll=False)

    part2_v[0, :] = accl
    part2_v[1, :] = accm
    pltpu.sync_copy(part2_v, shared.at[pl.ds(_PAD + 2 * b, 2)])
    plsc.subcore_barrier()

    @pl.when(sid == 0)
    def _finalize():
        pltpu.sync_copy(shared.at[pl.ds(_PAD, 2 * _B)], gath_v)
        def _rsum(i, accs):
            sl_, sm_ = accs
            return (sl_ + gath_v[2 * i, :], sm_ + gath_v[2 * i + 1, :])
        suml, summ = lax.fori_loop(
            0, _B, _rsum,
            (jnp.zeros((_L,), jnp.float32), jnp.zeros((_L,), jnp.float32)),
            unroll=False)
        sl = jnp.sum(suml)
        sm = jnp.sum(summ)
        num = jnp.full((_L,), sl, jnp.float32)
        den = jnp.full((_L,), sm, jnp.float32) + jnp.float32(1e-4)
        out_v[...] = num / den
        pltpu.sync_copy(out_v, out)


_sc_loss = functools.partial(
    pl.kernel,
    mesh=plsc.VectorSubcoreMesh(core_axis_name="c", subcore_axis_name="s"),
    compiler_params=pltpu.CompilerParams(needs_layout_passes=False),
    out_type=jax.ShapeDtypeStruct((_L,), jnp.float32),
    scratch_types=[
        pltpu.VMEM((_K,), jnp.int32),
        pltpu.VMEM((_K * _C // 2,), jnp.int32),
        pltpu.VMEM((_K * _C // 2,), jnp.int32),
        pltpu.VMEM((_K * _C // 2,), jnp.float32),
        pltpu.VMEM((_K * _C // 2,), jnp.float32),
        pltpu.VMEM((_K * _C,), jnp.float32),
        pltpu.VMEM((_K * _C,), jnp.float32),
        pltpu.VMEM((2, _L), jnp.float32),
        pltpu.VMEM((2 * _B, _L), jnp.float32),
        pltpu.VMEM((_L,), jnp.float32),
        pltpu.VMEM_SHARED((_PAD + 2 * _B, _L), jnp.float32),
        pltpu.SemaphoreType.DMA,
        pltpu.SemaphoreType.DMA,
        pltpu.SemaphoreType.DMA,
        pltpu.SemaphoreType.DMA,
    ],
)(_loss_body)


def kernel(output, mask, ind, target):
    B, C, H, W = output.shape
    K = ind.shape[1]
    assert (B, C, H, W, K) == (_B, _C, _H, _W, _K)
    outflat = output.reshape(B * C * H * W)
    maskf = mask.reshape(B, K * C)
    targf = target.reshape(B, K * C)
    res = _sc_loss(outflat, ind, maskf, targf)
    return res[0]

# --- scband reference (transcript-rebuilt; emitter-appended) ---
"""Pipeline reference for scband-reg-weighted-l1-loss-6846177870105 (READ-ONLY COPY).

The authoritative reference and input builder live on the scoring server;
editing this copy changes nothing except your own understanding.
"""

import jax, jax.numpy as jnp
import numpy as np


def setup_inputs(seed: int = 0) -> dict:
    key = jax.random.key(seed)
    k1, k2, k3, k4 = jax.random.split(key, 4)
    B, C, H, W, K = 16, 2, 128, 128, 128
    output = jax.random.normal(k1, (B, C, H, W), dtype=jnp.float32)
    mask = jax.random.uniform(k2, (B, K, C), dtype=jnp.float32)
    ind = jax.random.randint(k3, (B, K), 0, H * W, dtype=jnp.int32)
    target = jax.random.normal(k4, (B, K, C), dtype=jnp.float32)
    return {"output": output, "mask": mask, "ind": ind, "target": target}


def reference(output, mask, ind, target):
    B, C, H, W = output.shape
    K = ind.shape[1]
    # _tranpose_and_gather_feat: permute(0,2,3,1) -> view(B, H*W, C) -> gather along dim 1
    feat = jnp.transpose(output, (0, 2, 3, 1)).reshape(B, H * W, C)
    idx = jnp.broadcast_to(ind[:, :, None], (B, K, C))
    pred = jnp.take_along_axis(feat, idx, axis=1)
    # F.l1_loss(pred*mask, target*mask, reduction='sum') / (mask.sum() + 1e-4)
    loss = jnp.sum(jnp.abs(pred * mask - target * mask))
    loss = loss / (jnp.sum(mask) + 0.0001)
    return loss

if __name__ == "__main__":
    import jax
    _d = setup_inputs()
    print(jax.jit(kernel)(*tuple(_d.values())))

</pallas_src>

<mosaic_0001>
#map = affine_map<(d0, d1) -> (0)>
#map1 = affine_map<(d0, d1) -> (0, 0)>
module attributes {stable_mosaic.version = 14 : i64} {
  func.func @_loss_body(%arg0: i32, %arg1: i32, %arg2: memref<524288xf32, #tpu.memory_space<hbm>>, %arg3: memref<16x128xi32, #tpu.memory_space<hbm>>, %arg4: memref<16x256xf32, #tpu.memory_space<hbm>>, %arg5: memref<16x256xf32, #tpu.memory_space<hbm>>, %arg6: memref<16xf32, #tpu.memory_space<hbm>>, %arg7: memref<128xi32, #tpu.memory_space<vmem>>, %arg8: memref<128xi32, #tpu.memory_space<vmem>>, %arg9: memref<128xi32, #tpu.memory_space<vmem>>, %arg10: memref<128xf32, #tpu.memory_space<vmem>>, %arg11: memref<128xf32, #tpu.memory_space<vmem>>, %arg12: memref<256xf32, #tpu.memory_space<vmem>>, %arg13: memref<256xf32, #tpu.memory_space<vmem>>, %arg14: memref<2x16xf32, #tpu.memory_space<vmem>>, %arg15: memref<32x16xf32, #tpu.memory_space<vmem>>, %arg16: memref<16xf32, #tpu.memory_space<vmem>>, %arg17: memref<160x16xf32, #tpu.memory_space<vmem_shared>>, %arg18: memref<!tpu.dma_semaphore, #tpu.memory_space<semaphore_mem>>, %arg19: memref<!tpu.dma_semaphore, #tpu.memory_space<semaphore_mem>>, %arg20: memref<!tpu.dma_semaphore, #tpu.memory_space<semaphore_mem>>, %arg21: memref<!tpu.dma_semaphore, #tpu.memory_space<semaphore_mem>>) attributes {dimension_semantics = [#tpu.dimension_semantics<core_parallel>, #tpu.dimension_semantics<subcore_parallel>], iteration_bounds = array<i64: 2, 16>, scalar_prefetch = 0 : i64, scratch_operands = 15 : i64, tpu.core_type = #tpu.core_type<sc_vector_subcore>, window_params = [{transform_indices = #map}, {transform_indices = #map1}, {transform_indices = #map1}, {transform_indices = #map1}, {transform_indices = #map}]} {
    %eq3A = arith.constant 0 : i32
    %eq3A_0 = arith.cmpi eq, %arg0, %eq3A : i32
    %convert_element_type3A = arith.extui %eq3A_0 : i1 to i32
    %cond3A = arith.constant 0 : i32
    %cond3A_1 = arith.cmpi ne, %convert_element_type3A, %cond3A : i32
    scf.if %cond3A_1 {
      %dma_start3A = arith.constant 0 : i32
      %dma_start3A_2 = tpu.memref_slice %arg3[%arg1, %dma_start3A] : memref<16x128xi32, #tpu.memory_space<hbm>> -> memref<1x128xi32, #tpu.memory_space<hbm>>
      %dma_start3A_3 = tpu.memref_squeeze %dma_start3A_2 : memref<1x128xi32, #tpu.memory_space<hbm>> -> memref<128xi32, #tpu.memory_space<hbm>>
      %dma_start3A_4 = arith.constant 0 : i32
      %dma_start3A_5 = tpu.memref_slice %arg3[%arg1, %dma_start3A_4] : memref<16x128xi32, #tpu.memory_space<hbm>> -> memref<1x128xi32, #tpu.memory_space<hbm>>
      %dma_start3A_6 = tpu.memref_squeeze %dma_start3A_5 : memref<1x128xi32, #tpu.memory_space<hbm>> -> memref<128xi32, #tpu.memory_space<hbm>>
      tpu.enqueue_dma source(%dma_start3A_6 : memref<128xi32, #tpu.memory_space<hbm>>) target(%arg7 : memref<128xi32, #tpu.memory_space<vmem>>) target_semaphore(%arg18 : memref<!tpu.dma_semaphore, #tpu.memory_space<semaphore_mem>>)
      %dma_start3A_7 = arith.constant 0 : i32
      %dma_start3A_8 = tpu.memref_slice %arg4[%arg1, %dma_start3A_7] : memref<16x256xf32, #tpu.memory_space<hbm>> -> memref<1x256xf32, #tpu.memory_space<hbm>>
      %dma_start3A_9 = tpu.memref_squeeze %dma_start3A_8 : memref<1x256xf32, #tpu.memory_space<hbm>> -> memref<256xf32, #tpu.memory_space<hbm>>
      %dma_start3A_10 = arith.constant 0 : i32
      %dma_start3A_11 = tpu.memref_slice %arg4[%arg1, %dma_start3A_10] : memref<16x256xf32, #tpu.memory_space<hbm>> -> memref<1x256xf32, #tpu.memory_space<hbm>>
      %dma_start3A_12 = tpu.memref_squeeze %dma_start3A_11 : memref<1x256xf32, #tpu.memory_space<hbm>> -> memref<256xf32, #tpu.memory_space<hbm>>
      tpu.enqueue_dma source(%dma_start3A_12 : memref<256xf32, #tpu.memory_space<hbm>>) target(%arg12 : memref<256xf32, #tpu.memory_space<vmem>>) target_semaphore(%arg19 : memref<!tpu.dma_semaphore, #tpu.memory_space<semaphore_mem>>)
      %dma_start3A_13 = arith.constant 0 : i32
      %dma_start3A_14 = tpu.memref_slice %arg5[%arg1, %dma_start3A_13] : memref<16x256xf32, #tpu.memory_space<hbm>> -> memref<1x256xf32, #tpu.memory_space<hbm>>
      %dma_start3A_15 = tpu.memref_squeeze %dma_start3A_14 : memref<1x256xf32, #tpu.memory_space<hbm>> -> memref<256xf32, #tpu.memory_space<hbm>>
      %dma_start3A_16 = arith.constant 0 : i32
      %dma_start3A_17 = tpu.memref_slice %arg5[%arg1, %dma_start3A_16] : memref<16x256xf32, #tpu.memory_space<hbm>> -> memref<1x256xf32, #tpu.memory_space<hbm>>
      %dma_start3A_18 = tpu.memref_squeeze %dma_start3A_17 : memref<1x256xf32, #tpu.memory_space<hbm>> -> memref<256xf32, #tpu.memory_space<hbm>>
      tpu.enqueue_dma source(%dma_start3A_18 : memref<256xf32, #tpu.memory_space<hbm>>) target(%arg13 : memref<256xf32, #tpu.memory_space<vmem>>) target_semaphore(%arg20 : memref<!tpu.dma_semaphore, #tpu.memory_space<semaphore_mem>>)
      %dma_wait3A = arith.constant 0 : i32
      %dma_wait3A_19 = tpu.memref_slice %arg3[%arg1, %dma_wait3A] : memref<16x128xi32, #tpu.memory_space<hbm>> -> memref<1x128xi32, #tpu.memory_space<hbm>>
      %dma_wait3A_20 = tpu.memref_squeeze %dma_wait3A_19 : memref<1x128xi32, #tpu.memory_space<hbm>> -> memref<128xi32, #tpu.memory_space<hbm>>
      %dma_wait3A_21 = arith.constant 0 : i32
      %dma_wait3A_22 = tpu.memref_slice %arg3[%arg1, %dma_wait3A_21] : memref<16x128xi32, #tpu.memory_space<hbm>> -> memref<1x128xi32, #tpu.memory_space<hbm>>
      %dma_wait3A_23 = tpu.memref_squeeze %dma_wait3A_22 : memref<1x128xi32, #tpu.memory_space<hbm>> -> memref<128xi32, #tpu.memory_space<hbm>>
      tpu.wait_dma2 semaphore(%arg18 : memref<!tpu.dma_semaphore, #tpu.memory_space<semaphore_mem>>) src(%dma_wait3A_23 : memref<128xi32, #tpu.memory_space<hbm>>) dst(%arg7 : memref<128xi32, #tpu.memory_space<vmem>>)
      %mul3A = arith.constant 2 : i32
      %mul3A_24 = arith.muli %mul3A, %arg1 : i32
      %mul3A_25 = arith.constant 16384 : i32
      %mul3A_26 = arith.muli %mul3A_24, %mul3A_25 : i32
      %iota3A = tpu.iota {dimensions = array<i32: 0>} : vector<16xi32>
      %jit3A = arith.constant 2 : i32
      %div3A = vector.broadcast %jit3A : i32 to vector<16xi32>
      %div3A_27 = arith.divsi %iota3A, %div3A : vector<16xi32>
      %sign3A = arith.constant 0 : i32
      %sign3A_28 = vector.broadcast %sign3A : i32 to vector<16xi32>
      %sign3A_29 = arith.cmpi sgt, %iota3A, %sign3A_28 : vector<16xi32>
      %sign3A_30 = arith.extui %sign3A_29 : vector<16xi1> to vector<16xi32>
      %sign3A_31 = arith.constant 0 : i32
      %sign3A_32 = vector.broadcast %sign3A_31 : i32 to vector<16xi32>
      %sign3A_33 = arith.cmpi slt, %iota3A, %sign3A_32 : vector<16xi32>
      %sign3A_34 = arith.extui %sign3A_33 : vector<16xi1> to vector<16xi32>
      %sign3A_35 = arith.subi %sign3A_30, %sign3A_34 : vector<16xi32>
      %sign3A_36 = arith.constant 0 : i32
      %sign3A_37 = arith.cmpi sgt, %jit3A, %sign3A_36 : i32
      %sign3A_38 = arith.extui %sign3A_37 : i1 to i32
      %sign3A_39 = arith.constant 0 : i32
      %sign3A_40 = arith.cmpi slt, %jit3A, %sign3A_39 : i32
      %sign3A_41 = arith.extui %sign3A_40 : i1 to i32
      %sign3A_42 = arith.subi %sign3A_38, %sign3A_41 : i32
      %ne3A = vector.broadcast %sign3A_42 : i32 to vector<16xi32>
      %ne3A_43 = arith.cmpi ne, %sign3A_35, %ne3A : vector<16xi32>
      %rem3A = vector.broadcast %jit3A : i32 to vector<16xi32>
      %rem3A_44 = arith.remsi %iota3A, %rem3A : vector<16xi32>
      %ne3A_45 = arith.constant 0 : i32
      %ne3A_46 = vector.broadcast %ne3A_45 : i32 to vector<16xi32>
      %ne3A_47 = arith.cmpi ne, %rem3A_44, %ne3A_46 : vector<16xi32>
      %and3A = arith.andi %ne3A_43, %ne3A_47 : vector<16xi1>
      %sub3A = arith.constant 1 : i32
      %sub3A_48 = vector.broadcast %sub3A : i32 to vector<16xi32>
      %sub3A_49 = arith.subi %div3A_27, %sub3A_48 : vector<16xi32>
      %select_n3A = arith.select %and3A, %sub3A_49, %div3A_27 : vector<16xi1>, vector<16xi32>
      %jit3A_50 = arith.constant 2 : i32
      %eq3A_51 = arith.constant 0 : i32
      %eq3A_52 = arith.cmpi eq, %jit3A_50, %eq3A_51 : i32
      %jit3A_53 = arith.constant 1 : i32
      %select_n3A_54 = arith.select %eq3A_52, %jit3A_53, %jit3A_50 : i32
      %rem3A_55 = vector.broadcast %select_n3A_54 : i32 to vector<16xi32>
      %rem3A_56 = arith.remsi %iota3A, %rem3A_55 : vector<16xi32>
      %ne3A_57 = arith.constant 0 : i32
      %ne3A_58 = vector.broadcast %ne3A_57 : i32 to vector<16xi32>
      %ne3A_59 = arith.cmpi ne, %rem3A_56, %ne3A_58 : vector<16xi32>
      %lt3A = arith.constant 0 : i32
      %lt3A_60 = vector.broadcast %lt3A : i32 to vector<16xi32>
      %lt3A_61 = arith.cmpi slt, %rem3A_56, %lt3A_60 : vector<16xi32>
      %lt3A_62 = arith.constant 0 : i32
      %lt3A_63 = arith.cmpi slt, %select_n3A_54, %lt3A_62 : i32
      %ne3A_64 = vector.broadcast %lt3A_63 : i1 to vector<16xi1>
      %ne3A_65 = vector.broadcast %ne3A_64 : vector<16xi1> to vector<16xi1>
      %ne3A_66 = arith.xori %lt3A_61, %ne3A_65 : vector<16xi1>
      %and3A_67 = arith.andi %ne3A_66, %ne3A_59 : vector<16xi1>
      %add3A = vector.broadcast %select_n3A_54 : i32 to vector<16xi32>
      %add3A_68 = arith.addi %rem3A_56, %add3A : vector<16xi32>
      %select_n3A_69 = arith.select %and3A_67, %add3A_68, %rem3A_56 : vector<16xi1>, vector<16xi32>
      %mul3A_70 = arith.constant 16384 : i32
      %mul3A_71 = vector.broadcast %mul3A_70 : i32 to vector<16xi32>
      %mul3A_72 = arith.muli %select_n3A_69, %mul3A_71 : vector<16xi32>
      %scan3A = arith.constant 0 : i32
      %scan3A_73 = arith.constant 0 : i32
      %scan3A_74 = arith.constant 8 : i32
      %scan3A_75 = arith.addi %scan3A_73, %scan3A_74 : i32
      %scan3A_76 = arith.constant 1 : i32
      %scan3A_77 = scf.for %scan3A_130 = %scan3A_73 to %scan3A_75 step %scan3A_76 iter_args(%scan3A_131 = %scan3A) -> (i32)  : i32 {
        %mul3A_132 = arith.constant 8 : i32
        %mul3A_133 = arith.muli %mul3A_132, %scan3A_130 : i32
        %add3A_134 = vector.broadcast %mul3A_133 : i32 to vector<16xi32>
        %add3A_135 = arith.addi %add3A_134, %select_n3A : vector<16xi32>
        %gather3A = tpu.vector_load_idx %arg7[%add3A_135] : memref<128xi32, #tpu.memory_space<vmem>>[vector<16xi32>], vector<16xi32>,
        %add3A_136 = vector.broadcast %mul3A_26 : i32 to vector<16xi32>
        %add3A_137 = arith.addi %mul3A_72, %add3A_136 : vector<16xi32>
        %add3A_138 = arith.addi %gather3A, %add3A_137 : vector<16xi32>
        %mul3A_139 = arith.constant 16 : i32
        %mul3A_140 = arith.muli %scan3A_130, %mul3A_139 : i32
        %swap3A_141 = arith.index_cast %mul3A_140 : i32 to index
        %swap3A_142 = tpu.vector_load %arg8[%swap3A_141] {strides = array<i32>} : memref<128xi32, #tpu.memory_space<vmem>>, vector<16xi32>,
        tpu.vector_store %arg8[%swap3A_141], %add3A_138 {strides = array<i32>} : memref<128xi32, #tpu.memory_space<vmem>>, vector<16xi32>,
        %mul3A_143 = arith.constant 8 : i32
        %mul3A_144 = arith.muli %mul3A_143, %scan3A_130 : i32
        %add3A_145 = arith.constant 64 : i32
        %add3A_146 = arith.addi %add3A_145, %mul3A_144 : i32
        %add3A_147 = vector.broadcast %add3A_146 : i32 to vector<16xi32>
        %add3A_148 = arith.addi %add3A_147, %select_n3A : vector<16xi32>
        %gather3A_149 = tpu.vector_load_idx %arg7[%add3A_148] : memref<128xi32, #tpu.memory_space<vmem>>[vector<16xi32>], vector<16xi32>,
        %add3A_150 = vector.broadcast %mul3A_26 : i32 to vector<16xi32>
        %add3A_151 = arith.addi %mul3A_72, %add3A_150 : vector<16xi32>
        %add3A_152 = arith.addi %gather3A_149, %add3A_151 : vector<16xi32>
        %mul3A_153 = arith.constant 16 : i32
        %mul3A_154 = arith.muli %scan3A_130, %mul3A_153 : i32
        %swap3A_155 = arith.index_cast %mul3A_154 : i32 to index
        %swap3A_156 = tpu.vector_load %arg9[%swap3A_155] {strides = array<i32>} : memref<128xi32, #tpu.memory_space<vmem>>, vector<16xi32>,
        tpu.vector_store %arg9[%swap3A_155], %add3A_152 {strides = array<i32>} : memref<128xi32, #tpu.memory_space<vmem>>, vector<16xi32>,
        %scan3A_157 = arith.constant 0 : i32
        scf.yield %scan3A_157 : i32
      }
      %scan3A_78 = arith.constant 8 : i32
      %dma_start3A_79 = arith.constant 0 : i32
      %dma_start3A_80 = tpu.memref_slice %arg2[%dma_start3A_79] : memref<524288xf32, #tpu.memory_space<hbm>> -> memref<524288xf32, #tpu.memory_space<hbm>>
      tpu.enqueue_indirect_dma source(%dma_start3A_80 : memref<524288xf32, #tpu.memory_space<hbm>>) target(%arg10 : memref<128xf32, #tpu.memory_space<vmem>>) offsets(%arg8 : memref<128xi32, #tpu.memory_space<vmem>>) semaphore(%arg21 : memref<!tpu.dma_semaphore, #tpu.memory_space<semaphore_mem>>)
      %dma_start3A_81 = arith.constant 0 : i32
      %dma_start3A_82 = tpu.memref_slice %arg2[%dma_start3A_81] : memref<524288xf32, #tpu.memory_space<hbm>> -> memref<524288xf32, #tpu.memory_space<hbm>>
      tpu.enqueue_indirect_dma source(%dma_start3A_82 : memref<524288xf32, #tpu.memory_space<hbm>>) target(%arg11 : memref<128xf32, #tpu.memory_space<vmem>>) offsets(%arg9 : memref<128xi32, #tpu.memory_space<vmem>>) semaphore(%arg21 : memref<!tpu.dma_semaphore, #tpu.memory_space<semaphore_mem>>)
      %dma_wait3A_83 = arith.constant 0 : i32
      %dma_wait3A_84 = tpu.memref_slice %arg4[%arg1, %dma_wait3A_83] : memref<16x256xf32, #tpu.memory_space<hbm>> -> memref<1x256xf32, #tpu.memory_space<hbm>>
      %dma_wait3A_85 = tpu.memref_squeeze %dma_wait3A_84 : memref<1x256xf32, #tpu.memory_space<hbm>> -> memref<256xf32, #tpu.memory_space<hbm>>
      %dma_wait3A_86 = arith.constant 0 : i32
      %dma_wait3A_87 = tpu.memref_slice %arg4[%arg1, %dma_wait3A_86] : memref<16x256xf32, #tpu.memory_space<hbm>> -> memref<1x256xf32, #tpu.memory_space<hbm>>
      %dma_wait3A_88 = tpu.memref_squeeze %dma_wait3A_87 : memref<1x256xf32, #tpu.memory_space<hbm>> -> memref<256xf32, #tpu.memory_space<hbm>>
      tpu.wait_dma2 semaphore(%arg19 : memref<!tpu.dma_semaphore, #tpu.memory_space<semaphore_mem>>) src(%dma_wait3A_88 : memref<256xf32, #tpu.memory_space<hbm>>) dst(%arg12 : memref<256xf32, #tpu.memory_space<vmem>>)
      %broadcast_in_dim3A = arith.constant 0.000000e+00 : f32
      %broadcast_in_dim3A_89 = vector.broadcast %broadcast_in_dim3A : f32 to vector<16xf32>
      %scan3A_90 = arith.constant 0 : i32
      %scan3A_91 = arith.constant 16 : i32
      %scan3A_92 = arith.addi %scan3A_90, %scan3A_91 : i32
      %scan3A_93 = arith.constant 1 : i32
      %scan3A_94 = scf.for %scan3A_130 = %scan3A_90 to %scan3A_92 step %scan3A_93 iter_args(%scan3A_131 = %broadcast_in_dim3A_89) -> (vector<16xf32>)  : i32 {
        %mul3A_132 = arith.constant 16 : i32
        %mul3A_133 = arith.muli %scan3A_130, %mul3A_132 : i32
        %get3A = arith.index_cast %mul3A_133 : i32 to index
        %get3A_134 = tpu.vector_load %arg12[%get3A] {strides = array<i32>} : memref<256xf32, #tpu.memory_space<vmem>>, vector<16xf32>,
        %add3A_135 = arith.addf %scan3A_131, %get3A_134 : vector<16xf32>
        scf.yield %add3A_135 : vector<16xf32>
      }
      %scan3A_95 = arith.constant 16 : i32
      %dma_wait3A_96 = arith.constant 0 : i32
      %dma_wait3A_97 = tpu.memref_slice %arg5[%arg1, %dma_wait3A_96] : memref<16x256xf32, #tpu.memory_space<hbm>> -> memref<1x256xf32, #tpu.memory_space<hbm>>
      %dma_wait3A_98 = tpu.memref_squeeze %dma_wait3A_97 : memref<1x256xf32, #tpu.memory_space<hbm>> -> memref<256xf32, #tpu.memory_space<hbm>>
      %dma_wait3A_99 = arith.constant 0 : i32
      %dma_wait3A_100 = tpu.memref_slice %arg5[%arg1, %dma_wait3A_99] : memref<16x256xf32, #tpu.memory_space<hbm>> -> memref<1x256xf32, #tpu.memory_space<hbm>>
      %dma_wait3A_101 = tpu.memref_squeeze %dma_wait3A_100 : memref<1x256xf32, #tpu.memory_space<hbm>> -> memref<256xf32, #tpu.memory_space<hbm>>
      tpu.wait_dma2 semaphore(%arg20 : memref<!tpu.dma_semaphore, #tpu.memory_space<semaphore_mem>>) src(%dma_wait3A_101 : memref<256xf32, #tpu.memory_space<hbm>>) dst(%arg13 : memref<256xf32, #tpu.memory_space<vmem>>)
      %dma_wait3A_102 = arith.constant 0 : i32
      %dma_wait3A_103 = tpu.memref_slice %arg2[%dma_wait3A_102] : memref<524288xf32, #tpu.memory_space<hbm>> -> memref<524288xf32, #tpu.memory_space<hbm>>
      tpu.wait_indirect_dma semaphore(%arg21 : memref<!tpu.dma_semaphore, #tpu.memory_space<semaphore_mem>>) src(%dma_wait3A_103 : memref<524288xf32, #tpu.memory_space<hbm>>) dst(%arg10 : memref<128xf32, #tpu.memory_space<vmem>>)
      %dma_wait3A_104 = arith.constant 0 : i32
      %dma_wait3A_105 = tpu.memref_slice %arg2[%dma_wait3A_104] : memref<524288xf32, #tpu.memory_space<hbm>> -> memref<524288xf32, #tpu.memory_space<hbm>>
      tpu.wait_indirect_dma semaphore(%arg21 : memref<!tpu.dma_semaphore, #tpu.memory_space<semaphore_mem>>) src(%dma_wait3A_105 : memref<524288xf32, #tpu.memory_space<hbm>>) dst(%arg11 : memref<128xf32, #tpu.memory_space<vmem>>)
      %broadcast_in_dim3A_106 = arith.constant 0.000000e+00 : f32
      %broadcast_in_dim3A_107 = vector.broadcast %broadcast_in_dim3A_106 : f32 to vector<16xf32>
      %scan3A_108 = arith.constant 0 : i32
      %scan3A_109 = arith.constant 8 : i32
      %scan3A_110 = arith.addi %scan3A_108, %scan3A_109 : i32
      %scan3A_111 = arith.constant 1 : i32
      %scan3A_112 = scf.for %scan3A_130 = %scan3A_108 to %scan3A_110 step %scan3A_111 iter_args(%scan3A_131 = %broadcast_in_dim3A_107) -> (vector<16xf32>)  : i32 {
        %mul3A_132 = arith.constant 16 : i32
        %mul3A_133 = arith.muli %scan3A_130, %mul3A_132 : i32
        %get3A = arith.index_cast %mul3A_133 : i32 to index
        %get3A_134 = tpu.vector_load %arg10[%get3A] {strides = array<i32>} : memref<128xf32, #tpu.memory_space<vmem>>, vector<16xf32>,
        %mul3A_135 = arith.constant 16 : i32
        %mul3A_136 = arith.muli %scan3A_130, %mul3A_135 : i32
        %get3A_137 = arith.index_cast %mul3A_136 : i32 to index
        %get3A_138 = tpu.vector_load %arg12[%get3A_137] {strides = array<i32>} : memref<256xf32, #tpu.memory_space<vmem>>, vector<16xf32>,
        %mul3A_139 = arith.constant 16 : i32
        %mul3A_140 = arith.muli %scan3A_130, %mul3A_139 : i32
        %get3A_141 = arith.index_cast %mul3A_140 : i32 to index
        %get3A_142 = tpu.vector_load %arg13[%get3A_141] {strides = array<i32>} : memref<256xf32, #tpu.memory_space<vmem>>, vector<16xf32>,
        %mul3A_143 = arith.constant 16 : i32
        %mul3A_144 = arith.muli %scan3A_130, %mul3A_143 : i32
        %get3A_145 = arith.index_cast %mul3A_144 : i32 to index
        %get3A_146 = tpu.vector_load %arg11[%get3A_145] {strides = array<i32>} : memref<128xf32, #tpu.memory_space<vmem>>, vector<16xf32>,
        %mul3A_147 = arith.constant 16 : i32
        %mul3A_148 = arith.muli %scan3A_130, %mul3A_147 : i32
        %add3A_149 = arith.constant 128 : i32
        %add3A_150 = arith.addi %add3A_149, %mul3A_148 : i32
        %get3A_151 = arith.index_cast %add3A_150 : i32 to index
        %get3A_152 = tpu.vector_load %arg12[%get3A_151] {strides = array<i32>} : memref<256xf32, #tpu.memory_space<vmem>>, vector<16xf32>,
        %mul3A_153 = arith.constant 16 : i32
        %mul3A_154 = arith.muli %scan3A_130, %mul3A_153 : i32
        %add3A_155 = arith.constant 128 : i32
        %add3A_156 = arith.addi %add3A_155, %mul3A_154 : i32
        %get3A_157 = arith.index_cast %add3A_156 : i32 to index
        %get3A_158 = tpu.vector_load %arg13[%get3A_157] {strides = array<i32>} : memref<256xf32, #tpu.memory_space<vmem>>, vector<16xf32>,
        %mul3A_159 = arith.mulf %get3A_134, %get3A_138 : vector<16xf32>
        %mul3A_160 = arith.mulf %get3A_142, %get3A_138 : vector<16xf32>
        %sub3A_161 = arith.subf %mul3A_159, %mul3A_160 : vector<16xf32>
        %abs3A = math.absf %sub3A_161 : vector<16xf32>
        %add3A_162 = arith.addf %scan3A_131, %abs3A : vector<16xf32>
        %mul3A_163 = arith.mulf %get3A_146, %get3A_152 : vector<16xf32>
        %mul3A_164 = arith.mulf %get3A_158, %get3A_152 : vector<16xf32>
        %sub3A_165 = arith.subf %mul3A_163, %mul3A_164 : vector<16xf32>
        %abs3A_166 = math.absf %sub3A_165 : vector<16xf32>
        %add3A_167 = arith.addf %add3A_162, %abs3A_166 : vector<16xf32>
        scf.yield %add3A_167 : vector<16xf32>
      }
      %scan3A_113 = arith.constant 8 : i32
      %swap3A = arith.constant 0 : i32
      %swap3A_114 = arith.index_cast %swap3A : i32 to index
      %swap3A_115 = arith.constant 0 : index
      %swap3A_116 = tpu.vector_load %arg14[%swap3A_114, %swap3A_115] {strides = array<i32>} : memref<2x16xf32, #tpu.memory_space<vmem>>, vector<16xf32>,
      tpu.vector_store %arg14[%swap3A_114, %swap3A_115], %scan3A_112 {strides = array<i32>} : memref<2x16xf32, #tpu.memory_space<vmem>>, vector<16xf32>,
      %swap3A_117 = arith.constant 1 : i32
      %swap3A_118 = arith.index_cast %swap3A_117 : i32 to index
      %swap3A_119 = arith.constant 0 : index
      %swap3A_120 = tpu.vector_load %arg14[%swap3A_118, %swap3A_119] {strides = array<i32>} : memref<2x16xf32, #tpu.memory_space<vmem>>, vector<16xf32>,
      tpu.vector_store %arg14[%swap3A_118, %swap3A_119], %scan3A_94 {strides = array<i32>} : memref<2x16xf32, #tpu.memory_space<vmem>>, vector<16xf32>,
      %mul3A_121 = arith.constant 2 : i32
      %mul3A_122 = arith.muli %mul3A_121, %arg1 : i32
      %add3A_123 = arith.constant 128 : i32
      %add3A_124 = arith.addi %add3A_123, %mul3A_122 : i32
      "tpu.region"() ({
        %run_scoped3A = tpu.sem_alloc : memref<!tpu.dma_semaphore, #tpu.memory_space<semaphore_mem>>
        %dma_start3A_130 = arith.constant 0 : i32
        %dma_start3A_131 = tpu.memref_slice %arg17[%add3A_124, %dma_start3A_130] : memref<160x16xf32, #tpu.memory_space<vmem_shared>> -> memref<2x16xf32, #tpu.memory_space<vmem_shared>>
        %dma_start3A_132 = arith.constant 0 : i32
        %dma_start3A_133 = tpu.memref_slice %arg17[%add3A_124, %dma_start3A_132] : memref<160x16xf32, #tpu.memory_space<vmem_shared>> -> memref<2x16xf32, #tpu.memory_space<vmem_shared>>
        tpu.enqueue_dma source(%arg14 : memref<2x16xf32, #tpu.memory_space<vmem>>) target(%dma_start3A_133 : memref<2x16xf32, #tpu.memory_space<vmem_shared>>) target_semaphore(%run_scoped3A : memref<!tpu.dma_semaphore, #tpu.memory_space<semaphore_mem>>)
        %dma_wait3A_134 = arith.constant 0 : i32
        %dma_wait3A_135 = tpu.memref_slice %arg17[%add3A_124, %dma_wait3A_134] : memref<160x16xf32, #tpu.memory_space<vmem_shared>> -> memref<2x16xf32, #tpu.memory_space<vmem_shared>>
        %dma_wait3A_136 = arith.constant 0 : i32
        %dma_wait3A_137 = tpu.memref_slice %arg17[%add3A_124, %dma_wait3A_136] : memref<160x16xf32, #tpu.memory_space<vmem_shared>> -> memref<2x16xf32, #tpu.memory_space<vmem_shared>>
        tpu.wait_dma2 semaphore(%run_scoped3A : memref<!tpu.dma_semaphore, #tpu.memory_space<semaphore_mem>>) src(%arg14 : memref<2x16xf32, #tpu.memory_space<vmem>>) dst(%dma_wait3A_137 : memref<2x16xf32, #tpu.memory_space<vmem_shared>>)
        tpu.yield
      }) : () -> ()
      %barrier3A = arith.constant 0 : index
      tpu.barrier barrier_id(%barrier3A)
      %eq3A_125 = arith.constant 0 : i32
      %eq3A_126 = arith.cmpi eq, %arg1, %eq3A_125 : i32
      %convert_element_type3A_127 = arith.extui %eq3A_126 : i1 to i32
      %cond3A_128 = arith.constant 0 : i32
      %cond3A_129 = arith.cmpi ne, %convert_element_type3A_127, %cond3A_128 : i32
      scf.if %cond3A_129 {
        "tpu.region"() ({
          %run_scoped3A = tpu.sem_alloc : memref<!tpu.dma_semaphore, #tpu.memory_space<semaphore_mem>>
          %dma_start3A_155 = arith.constant 128 : i32
          %dma_start3A_156 = arith.constant 0 : i32
          %dma_start3A_157 = tpu.memref_slice %arg17[%dma_start3A_155, %dma_start3A_156] : memref<160x16xf32, #tpu.memory_space<vmem_shared>> -> memref<32x16xf32, #tpu.memory_space<vmem_shared>>
          %dma_start3A_158 = arith.constant 128 : i32
          %dma_start3A_159 = arith.constant 0 : i32
          %dma_start3A_160 = tpu.memref_slice %arg17[%dma_start3A_158, %dma_start3A_159] : memref<160x16xf32, #tpu.memory_space<vmem_shared>> -> memref<32x16xf32, #tpu.memory_space<vmem_shared>>
          tpu.enqueue_dma source(%dma_start3A_160 : memref<32x16xf32, #tpu.memory_space<vmem_shared>>) target(%arg15 : memref<32x16xf32, #tpu.memory_space<vmem>>) target_semaphore(%run_scoped3A : memref<!tpu.dma_semaphore, #tpu.memory_space<semaphore_mem>>)
          %dma_wait3A_161 = arith.constant 128 : i32
          %dma_wait3A_162 = arith.constant 0 : i32
          %dma_wait3A_163 = tpu.memref_slice %arg17[%dma_wait3A_161, %dma_wait3A_162] : memref<160x16xf32, #tpu.memory_space<vmem_shared>> -> memref<32x16xf32, #tpu.memory_space<vmem_shared>>
          %dma_wait3A_164 = arith.constant 128 : i32
          %dma_wait3A_165 = arith.constant 0 : i32
          %dma_wait3A_166 = tpu.memref_slice %arg17[%dma_wait3A_164, %dma_wait3A_165] : memref<160x16xf32, #tpu.memory_space<vmem_shared>> -> memref<32x16xf32, #tpu.memory_space<vmem_shared>>
          tpu.wait_dma2 semaphore(%run_scoped3A : memref<!tpu.dma_semaphore, #tpu.memory_space<semaphore_mem>>) src(%dma_wait3A_166 : memref<32x16xf32, #tpu.memory_space<vmem_shared>>) dst(%arg15 : memref<32x16xf32, #tpu.memory_space<vmem>>)
          tpu.yield
        }) : () -> ()
        %broadcast_in_dim3A_130 = arith.constant 0.000000e+00 : f32
        %broadcast_in_dim3A_131 = vector.broadcast %broadcast_in_dim3A_130 : f32 to vector<16xf32>
        %broadcast_in_dim3A_132 = arith.constant 0.000000e+00 : f32
        %broadcast_in_dim3A_133 = vector.broadcast %broadcast_in_dim3A_132 : f32 to vector<16xf32>
        %scan3A_134 = arith.constant 0 : i32
        %scan3A_135 = arith.constant 16 : i32
        %scan3A_136 = arith.addi %scan3A_134, %scan3A_135 : i32
        %scan3A_137 = arith.constant 1 : i32
        %scan3A_138:2 = scf.for %scan3A_155 = %scan3A_134 to %scan3A_136 step %scan3A_137 iter_args(%scan3A_156 = %broadcast_in_dim3A_131, %scan3A_157 = %broadcast_in_dim3A_133) -> (vector<16xf32>, vector<16xf32>)  : i32 {
          %mul3A_158 = arith.constant 2 : i32
          %mul3A_159 = arith.muli %mul3A_158, %scan3A_155 : i32
          %get3A = arith.index_cast %mul3A_159 : i32 to index
          %get3A_160 = arith.constant 0 : index
          %get3A_161 = tpu.vector_load %arg15[%get3A, %get3A_160] {strides = array<i32>} : memref<32x16xf32, #tpu.memory_space<vmem>>, vector<16xf32>,
          %add3A_162 = arith.addf %scan3A_156, %get3A_161 : vector<16xf32>
          %mul3A_163 = arith.constant 2 : i32
          %mul3A_164 = arith.muli %mul3A_163, %scan3A_155 : i32
          %add3A_165 = arith.constant 1 : i32
          %add3A_166 = arith.addi %mul3A_164, %add3A_165 : i32
          %get3A_167 = arith.index_cast %add3A_166 : i32 to index
          %get3A_168 = arith.constant 0 : index
          %get3A_169 = tpu.vector_load %arg15[%get3A_167, %get3A_168] {strides = array<i32>} : memref<32x16xf32, #tpu.memory_space<vmem>>, vector<16xf32>,
          %add3A_170 = arith.addf %scan3A_157, %get3A_169 : vector<16xf32>
          scf.yield %add3A_162, %add3A_170 : vector<16xf32>, vector<16xf32>
        }
        %scan3A_139 = arith.constant 16 : i32
        %reduce_sum3A = arith.constant true
        %reduce_sum3A_140 = vector.broadcast %reduce_sum3A : i1 to vector<16xi1>
        %reduce_sum3A_141 = tpu.scan <sum>, %scan3A_138#0 masked %reduce_sum3A_140 : vector<16xf32>, vector<16xi1> -> vector<16xf32>
        %reduce_sum3A_142 = vector.extract %reduce_sum3A_141[15] : f32 from vector<16xf32>
        %reduce_sum3A_143 = arith.constant true
        %reduce_sum3A_144 = vector.broadcast %reduce_sum3A_143 : i1 to vector<16xi1>
        %reduce_sum3A_145 = tpu.scan <sum>, %scan3A_138#1 masked %reduce_sum3A_144 : vector<16xf32>, vector<16xi1> -> vector<16xf32>
        %reduce_sum3A_146 = vector.extract %reduce_sum3A_145[15] : f32 from vector<16xf32>
        %broadcast_in_dim3A_147 = vector.broadcast %reduce_sum3A_142 : f32 to vector<16xf32>
        %broadcast_in_dim3A_148 = vector.broadcast %reduce_sum3A_146 : f32 to vector<16xf32>
        %add3A_149 = arith.constant 9.99999974E-5 : f32
        %add3A_150 = vector.broadcast %add3A_149 : f32 to vector<16xf32>
        %add3A_151 = arith.addf %broadcast_in_dim3A_148, %add3A_150 : vector<16xf32>
        %div3A_152 = arith.divf %broadcast_in_dim3A_147, %add3A_151 : vector<16xf32>
        %swap3A_153 = arith.constant 0 : index
        %swap3A_154 = tpu.vector_load %arg16[%swap3A_153] {strides = array<i32>} : memref<16xf32, #tpu.memory_space<vmem>>, vector<16xf32>,
        tpu.vector_store %arg16[%swap3A_153], %div3A_152 {strides = array<i32>} : memref<16xf32, #tpu.memory_space<vmem>>, vector<16xf32>,
        "tpu.region"() ({
          %run_scoped3A = tpu.sem_alloc : memref<!tpu.dma_semaphore, #tpu.memory_space<semaphore_mem>>
          tpu.enqueue_dma source(%arg16 : memref<16xf32, #tpu.memory_space<vmem>>) target(%arg6 : memref<16xf32, #tpu.memory_space<hbm>>) target_semaphore(%run_scoped3A : memref<!tpu.dma_semaphore, #tpu.memory_space<semaphore_mem>>)
          tpu.wait_dma2 semaphore(%run_scoped3A : memref<!tpu.dma_semaphore, #tpu.memory_space<semaphore_mem>>) src(%arg16 : memref<16xf32, #tpu.memory_space<vmem>>) dst(%arg6 : memref<16xf32, #tpu.memory_space<hbm>>)
          tpu.yield
        }) : () -> ()
      } else {
      }
    } else {
    }
    return
  }
}

</mosaic_0001>

<sc_bundles>
// kernel: kernel.3.cloned.1.call-start
scs
__scs_entry_jumppad:
0x0: {  	(pc) =	sbr.rel $0x88, $3  }
0x1: {  	(tag) =	ssettag $0x0;
	lr =	simm.s32 $0x1  }
0x2: {  	[smem:$0x3F9D] =	sst lr;
	_ =	strace $0xD0000000  }
0x3: {  	_ = 	snop  }
0x4: {  	_ = 	snop  }
0x5: {  	_ = 	snop  }
0x6: {  	_ = 	snop  }
0x7: {  	_ = 	snop  }
__scs_overlays_trampoline_lowered:
0x8: {  	[smem:$0x3FAC] =	sst s0  }
0x9: {  	[smem:$0x3FAD] =	sst s1  }
0xa: {  	[smem:$0x3FAE] =	sst s2  }
0xb: {  	[smem:$0x3FAF] =	sst s3  }
0xc: {  	[smem:$0x3FB0] =	sst s4  }
0xd: {  	[smem:$0x3FB1] =	sst s5  }
0xe: {  	[smem:$0x3FB2] =	sst s6  }
0xf: {  	[smem:$0x3FB3] =	sst s7  }
0x10: {  	[smem:$0x3FB4] =	sst s8  }
0x11: {  	[smem:$0x3FB5] =	sst s9;
	s0 =	simm.s32 @!p0 $0x0  }
0x12: {  	s1 =	sld [smem:$0x3F9B];
	s0 =	simm.s32 @p0 $0x1  }
0x13: {  	[smem:$0x3FB6] =	sst s0;
	s0 =	simm.s32 @!p1 $0x0  }
0x14: {  	s2 =	sld [smem:$0x3F9A];
	s0 =	simm.s32 @p1 $0x1  }
0x15: {  	[smem:$0x3FB7] =	sst s0;
	s0 =	simm.s32 @!p2 $0x0  }
0x16: {  	s3 =	sld [smem:$0x3FDB];
	s0 =	simm.s32 @p2 $0x1  }
0x17: {  	s4 =	simm.s32 $0x1BF5;
	[smem:$0x3FB9] =	sst s0  }
0x18: {  	s0 =	sld [smem:$0x3F9C];
	_ =	swait.ge [sflag:s4], $0x0  }
0x19: {  	s7 =	sld [smem:$0x3F9D]  }
0x1a: {  	s8 =	sadd.s32 $0xFFFFE003, lr  }
0x1b: {  	s9 =	sadd.s32 $0xFFFFFEF7, lr;
	s5 =	simm.s32 $0xFFFFFFFF;
	p2 =	slt.u32 s8, $0xFFFFF086  }
0x1c: {  	p1 =	slt.u32 s9, $0xF7A;
	s5 =	simm.s32 @!p2 $0x0  }
0x1d: {  	s5 =	simm.s32 @p1 $0x1;
	p0 =	seq.s32 s7, s2  }
0x1e: {  	s7 =	smul.u32 @!p0 $0xF7A, s2;
	p2 =	seq.s32 @!p0 s5, $0x0  }
0x1f: {  	s9 =	smul.u32 $0xF7A, s1;
	s8 =	simm.s32 @!p0 $0x1BF5;
	p2 =	por !p2, p0  }
0x20: {  	[sflag:s8] =	ssyncset.s32 @!p0 $0xFFFFF086;
	s6 =	sadd.s32 @!p0 s3, s7;
	s7 =	simm.s32 @!p0 $0x108  }
0x21: {  	s3 =	sadd.s32 s3, s9;
	s6 =	sadd.s32 @!p0 $0x88, s6;
	s7 =	simm.s32 @p2 $0x1082  }
0x22: {  	[simem:s7], [sflag:s8] =	dma.local @!p0 [hbm:s6], $0xF7A  }
0x23: {  	s9 =	sor.u32 $0xD0000000, s2;
	s6 =	simm.s32 $0x108;
	_ =	swait.ge @!p0 [sflag:s8], $0x0  }
0x24: {  	s3 =	sadd.s32 $0x88, s3;
	s6 =	simm.s32 @!p1 $0x1082;
	[sflag:s4] =	ssyncset.s32 $0xFFFFF086  }
0x25: {  	[simem:s6], [sflag:s4] =	dma.local [hbm:s3], $0xF7A  }
0x26: {  	[smem:$0x3F9D] =	sst s1;
	(tag) =	ssettag s2;
	_ =	strace s9  }
0x27: {  	s1 =	sld [smem:$0x3FAD]  }
0x28: {  	s2 =	sld [smem:$0x3FAE]  }
0x29: {  	s4 =	sld [smem:$0x3FB0]  }
0x2a: {  	p0 =	seq.s32 s5, $0x0;
	s5 =	sld [smem:$0x3FB1]  }
0x2b: {  	s6 =	sld [smem:$0x3FB2]  }
0x2c: {  	s7 =	sld [smem:$0x3FB3]  }
0x2d: {  	s3 =	simm.s32 $0x108;
	s8 =	sld [smem:$0x3FB4]  }
0x2e: {  	s3 =	simm.s32 @!p0 $0x1082;
	s9 =	sld [smem:$0x3FB5]  }
0x2f: {  	lr =	sadd.s32 s0, s3;
	s0 =	sld [smem:$0x3FAC]  }
0x30: {  	s3 =	sld [smem:$0x3FAF]  }
0x31: {  	[smem:$0x3FB8] =	sst s10  }
0x32: {  	s10 =	sld [smem:$0x3FB6];
	_ =	sdelay $0x3  }
0x33: {  	p0 =	seq.s32 s10, $0x1;
	s10 =	sld [smem:$0x3FB8];
	_ =	sdelay $0x3  }
0x34: {  	[smem:$0x3FB8] =	sst s10  }
0x35: {  	s10 =	sld [smem:$0x3FB7];
	_ =	sdelay $0x3  }
0x36: {  	p1 =	seq.s32 s10, $0x1;
	s10 =	sld [smem:$0x3FB8];
	_ =	sdelay $0x3  }
0x37: {  	[smem:$0x3FB8] =	sst s10  }
0x38: {  	s10 =	sld [smem:$0x3FB9]  }
0x39: {  	_ = 	snop;
	(pc) =	sbr.ind lr, $3  }
0x3a: {  	_ = 	snop  }
0x3b: {  	_ = 	snop  }
0x3c: {  	p2 =	seq.s32 s10, $0x1;
	s10 =	sld [smem:$0x3FB8]  }
0x3d: {  	_ =	shalt  }
0x3e: {  	_ =	shalt  }
0x3f: {  	_ =	shalt  }
0x40: {  	_ =	shalt  }
0x41: {  	_ =	shalt  }
0x42: {  	_ =	shalt  }
0x43: {  	_ =	shalt  }
0x44: {  	_ =	shalt  }
0x45: {  	_ =	shalt  }
0x46: {  	_ =	shalt  }
0x47: {  	_ =	shalt  }
0x48: {  	_ =	shalt  }
0x49: {  	_ =	shalt  }
0x4a: {  	_ =	shalt  }
0x4b: {  	_ =	shalt  }
0x4c: {  	_ =	shalt  }
0x4d: {  	_ =	shalt  }
0x4e: {  	_ =	shalt  }
0x4f: {  	_ =	shalt  }
0x50: {  	_ =	shalt  }
0x51: {  	_ =	shalt  }
0x52: {  	_ =	shalt  }
0x53: {  	_ =	shalt  }
0x54: {  	_ =	shalt  }
0x55: {  	_ =	shalt  }
0x56: {  	_ =	shalt  }
0x57: {  	_ =	shalt  }
0x58: {  	_ =	shalt  }
0x59: {  	_ =	shalt  }
0x5a: {  	_ =	shalt  }
0x5b: {  	_ =	shalt  }
0x5c: {  	_ =	shalt  }
0x5d: {  	_ =	shalt  }
0x5e: {  	_ =	shalt  }
0x5f: {  	_ =	shalt  }
0x60: {  	_ =	shalt  }
0x61: {  	_ =	shalt  }
0x62: {  	_ =	shalt  }
0x63: {  	_ =	shalt  }
0x64: {  	_ =	shalt  }
0x65: {  	_ =	shalt  }
0x66: {  	_ =	shalt  }
0x67: {  	_ =	shalt  }
0x68: {  	_ =	shalt  }
0x69: {  	_ =	shalt  }
0x6a: {  	_ =	shalt  }
0x6b: {  	_ =	shalt  }
0x6c: {  	_ =	shalt  }
0x6d: {  	_ =	shalt  }
0x6e: {  	_ =	shalt  }
0x6f: {  	_ =	shalt  }
0x70: {  	_ =	shalt  }
0x71: {  	_ =	shalt  }
0x72: {  	_ =	shalt  }
0x73: {  	_ =	shalt  }
0x74: {  	_ =	shalt  }
0x75: {  	_ =	shalt  }
0x76: {  	_ =	shalt  }
0x77: {  	_ =	shalt  }
0x78: {  	_ =	shalt  }
0x79: {  	_ =	shalt  }
0x7a: {  	_ =	shalt  }
0x7b: {  	_ =	shalt  }
0x7c: {  	_ =	shalt  }
0x7d: {  	_ =	shalt  }
0x7e: {  	_ =	shalt  }
0x7f: {  	_ =	shalt  }
0x80: {  	_ =	shalt  }
0x81: {  	_ =	shalt  }
0x82: {  	_ =	shalt  }
0x83: {  	_ =	shalt  }
0x84: {  	_ =	shalt  }
0x85: {  	_ =	shalt  }
0x86: {  	_ =	shalt  }
0x87: {  	_ =	shalt  }
.Lfunc_end0:
.L_simem_size_0:
called_computation_lowered:
.L_overlay_start_0:
0x88: {  	s2 =	sld [smem:$0x3FD9]  }
0x89: {  	s3 =	sld [smem:$0x3FFE];
	_ =	sdelay $0x1  }
0x8a: {  	s1 =	srdreg.scid  }
0x8b: {  	s0 =	sand.u32 $0x1, s1  }
0x8c: {  	s17 =	sshll.u32 s0, $0xA;
	s2 =	sadd.s32 s3, s2  }
0x8d: {  	s2 =	sadd.s32 s2, s17  }
0x8e: {  	[smem:$0x3FC4] =	sst s2  }
0x8f: {  	_ = 	snop  }
0x90: {  	s2 =	sld [smem:$0x3FC9]  }
0x91: {  	s18 =	sld [smem:$0x3FC7]  }
0x92: {  	s4 =	sld [smem:$0x3FD0];
	(tm) =	ssettm $0x1  }
0x93: {  	s5 =	sld [smem:$0x3FFB];
	_ =	sdelay $0x3  }
0x94: {  	_ =	strace s5  }
0x95: {  	s5 =	sld [smem:$0x3FFC];
	_ =	sdelay $0x3  }
0x96: {  	_ =	strace s5  }
0x97: {  	s5 =	sld [smem:$0x3FFD];
	_ =	sdelay $0x3  }
0x98: {  	_ =	strace s5  }
0x99: {  	_ =	strace $0x8FFFFFFF  }
0x9a: {  	s19 =	sld [smem:$0x3FDB];
	_ =	sdelay $0x1  }
0x9b: {  	s6 =	simm.s32 $_scs_section_size  }
0x9c: {  	s7 =	simm.s32 $_size__tile_overlayer_lowered;
	s8 =	simm.s32 $_tile_overlayer_lowered  }
0x9d: {  	s22 =	simm.s32 $0x1BFF;
	s21 =	sshll.u32 s8, $0x1;
	s5 =	sadd.s32 s6, s19  }
0x9e: {  	s9 =	simm.s32 $0x0;
	s20 =	sshll.u32 s7, $0x1;
	s7 =	sadd.s32 s21, s5  }
0x9f: {  	[timem:s9], [sflag:s22] =	dma.local [hbm:s7], s20  }
0xa0: {  	_ =	swait.ge [sflag:s22], s20  }
0xa1: {  	s6 =	ssub.s32 $0x0, s20;
	[sflag:s22] =	ssyncset.done $0x0  }
0xa2: {  	[sflag:s22] =	ssyncadd.s32 s6;
	_ =	sdelay $0x1  }
0xa3: {  	s23 =	simm.s32 $0x1B8B  }
0xa4: {  	_ =	swait.ge [sflag:s23], $0x1  }
0xa5: {  	[sflag:s23] =	ssyncset.done $0x0  }
0xa6: {  	s25 =	simm.s32 $0x1B8E;
	s24 =	sld [smem:$0x3FFE];
	[sflag:s23] =	ssyncadd.s32 $0xFFFFFFFF  }
0xa7: {  	s26 =	simm.s32 $execute0_lowered;
	[smem:$0x3FD2] =	sst s25  }
0xa8: {  	s7 =	sshll.u32 s26, $0x1;
	_ =	strace $0x80000046;
	[dreg:$0x1] =	wrdreg $0xFFFFFFFF  }
0xa9: {  	s28 =	simm.s32 $_size_execute0_lowered;
	s5 =	sadd.s32 s5, s7;
	[dreg:$0x0] =	wrdreg $0x0  }
0xaa: {  	s7 =	sshll.u32 s28, $0x1;
	[dreg:$0x2] =	wrdreg s5  }
0xab: {  	[dreg:$0x3] =	wrdreg s7  }
0xac: {  	[dreg:$0x4] =	wrdreg $0xC0  }
0xad: {  	_ =	task [dreg:s9], $0x5FFFF  }
0xae: {  	[dreg:$0x1] =	wrdreg $0xFFFFFFFF  }
0xaf: {  	[dreg:$0x0] =	wrdreg $0x60  }
0xb0: {  	[dreg:$0x2] =	wrdreg s2  }
0xb1: {  	[dreg:$0x3] =	wrdreg s18  }
0xb2: {  	[dreg:$0x4] =	wrdreg s24  }
0xb3: {  	[dreg:$0x5] =	wrdreg s4  }
0xb4: {  	[dreg:$0x6] =	wrdreg $0x16000  }
0xb5: {  	[dreg:$0x7] =	wrdreg $0x9  }
0xb6: {  	_ =	task.clear_ibuf [dreg:s9], $0x8FFFF;
	_ =	strace $0x90000046  }
0xb7: {  	s29 =	simm.s32 $0x9;
	_ =	strace $0x80000048  }
0xb8: {  	_ =	swait.ge [sflag:s29], $0x1  }
0xb9: {  	[sflag:s29] =	ssyncadd.s32 $0xFFFFFFFF  }
0xba: {  	_ =	strace $0x90000048  }
0xbb: {  	_ =	sfence  }
0xbc: {  	s30 =	sld [smem:$0x0];
	_ =	sdelay $0x2  }
0xbd: {  	s31 =	sshll.u32 s1, $0xD;
	s1 =	sshrl.u32 s1, $0x2  }
0xbe: {  	s3 =	sand.u32 $0x4000, s31;
	s1 =	sadd.s32 s1, s30  }
0xbf: {  	s0 =	sor.u32 s3, s0;
	s1 =	sshll.u32 s1, $0x11  }
0xc0: {  	s0 =	sor.u32 s1, s0  }
0xc1: {  	s0 =	sadd.s32 $0x8F2B, s0  }
0xc2: {  	[sflag:s0] =	ssyncadd.remote.s32 $0x1  }
0xc3: {  	_ =	sfence.sel $0xFFFF  }
0xc4: {  	[dreg:$0x0] =	wrdreg $0xFFFFFFFF;
	(pc) =	sbr.abs _section_cstart, $3  }
0xc5: {  	[dreg:$0x1] =	wrdreg $0xFFFFFFFF  }
0xc6: {  	_ =	task.clear_ibuf [dreg:s9], $0x2FFFF;
	_ =	strace $0x9FFFFFFF  }
0xc7: {  	(tm) =	ssettm $0x7FFFFFFF  }
tec
execute0_lowered:
.L_overlay_start_1:
0x0: {  	(tag) =	ssettag $0x1  }
0x1: {  	s2 =	srdreg.scid  }
0x2: {  	s5 =	rddreg [dreg:$0x0];
	s2 =	sand.u32 $0x1, s2  }
0x3: {  	s4 =	rddreg [dreg:$0x1];
	p0 =	seq.s32 s2, $0x1  }
.Ltmp0:
0x4: {  	s7 =	rddreg [dreg:$0x2];
	(pc) =	sbr.rel @p0 .LBB2_5-.Ltmp0, $4  }
0x5: {  	s1 =	rddreg [dreg:$0x3]  }
0x6: {  	s3 =	rddreg [dreg:$0x4];
	s6 =	simm.s32 $0x0  }
0x7: {  	[smem:$0x7FF] =	sst s6  }
0x8: {  	s0 =	rddreg [dreg:$0x5];
	_ =	strace $0x80000047;
	s2 =	stileid.u32  }
0x9: {  	s8 =	sshrl.u32 s2, $0x3;
	s9 =	sshll.u32 s2, $0x7  }
0xa: {  	s10 =	sshll.u32 s8, $0xB;
	s9 =	sand.u32 $0x380, s9;
	s8 =	sshll.u32 s8, $0xA  }
0xb: {  	s22 =	sadd.s32 $0x400, s7;
	s8 =	sor.u32 s9, s8  }
0xc: {  	s11 =	sadd.s32 $0x600, s7;
	s10 =	sor.u32 s9, s10;
	s8 =	sshrl.u32 s8, $0x3  }
0xd: {  	s7 =	simm.s32 $0x80;
	s10 =	sshrl.u32 s10, $0x3;
	s4 =	sadd.s32 s4, s8  }
0xe: {  	[tilespmem:s6], [sflag:$0x1] =	stream.linear.gather [hbm4b:s4+s6], $0x80, $0x38;
	[tilespmem:$0x16A0] =	vst v63  }
0xf: {  	s23 =	simm.s32 $0x400;
	s24 =	simm.s32 $0x280;
	v1 =	vlaneseq.u32;
	s9 =	sadd.s32 s22, s10  }
0x10: {  	v0 =	vshrl.u32 v1, $0x1;
	[tilespmem:s24], [sflag:$0x2] =	stream.strided.gather [hbm4b:s9+s7], $0x100, s23, s7, $0x38;
	[tilespmem:$0x16A0] =	vst v63  }
0x11: {  	s26 =	simm.s32 $0x380;
	s28 =	simm.s32 $0x1;
	v2 =	vor.u32 s6, v0;
	s25 =	sadd.s32 s11, s10  }
0x12: {  	[tilespmem:s26], [sflag:$0x3] =	stream.strided.gather [hbm4b:s25+s7], $0x100, s23, s7, $0x38;
	[tilespmem:$0x16A0] =	vst v63  }
0x13: {  	_ =	swait.ge [sflag:s28], $0x80  }
0x14: {  	[sflag:s28] =	ssyncset.done $0x0  }
0x15: {  	[sflag:s28] =	ssyncadd.s32 $0xFFFFFF80  }
0x16: {  	v2 =	vld.idx.msk [tilespmem:v2+s6+$0x0], $0xffff  }
0x17: {  	s29 =	simm.s32 $0x40;
	v1 =	vand.u32 $0x1, v1  }
0x18: {  	v1 =	vmul.u32 $0x4000, v1;
	v3 =	vor.u32 s29, v0  }
0x19: {  	s30 =	sshll.u32 s2, $0xF  }
0x1a: {  	v1 =	vor.u32 s30, v1  }
0x1b: {  	v2 =	vadd.s32 v1, v2  }
0x1c: {  	[tilespmem:s7+$0x0] =	vst v2  }
0x1d: {  	v3 =	vld.idx.msk [tilespmem:v3+s6+$0x0], $0xffff;
	_ =	sdelay $0x1  }
0x1e: {  	s9 =	simm.s32 $0x8  }
0x1f: {  	v2 =	vor.u32 s9, v0  }
0x20: {  	s31 =	sshll.u32 s2, $0x8;
	s3 =	sadd.s32 $0x4000, s3  }
0x21: {  	s8 =	simm.s32 $0x100;
	s10 =	simm.s32 $0x10;
	s4 =	sadd.s32 s31, s3;
	v3 =	vadd.s32 v1, v3  }
.LBB2_2:
0x22: {  	s7 =	sadd.s32 $0x10, s7  }
0x23: {  	[tilespmem:s8+$0x0] =	vst v3;
	s8 =	sadd.s32 $0x10, s8;
	s11 =	smov.u32 s10;
	s12 =	sadd.s32 $0x8, s10  }
0x24: {  	p0 =	sne.s32 s10, $0x38;
	v2 =	vld.idx.msk [tilespmem:v2+s6+$0x0], $0xffff;
	_ =	sdelay $0x1  }
0x25: {  	s10 =	sadd.s32 $0x40, s9;
	s9 =	smov.u32 s11  }
0x26: {  	v3 =	vor.u32 s10, v0;
	_ =	sdelay $0x2  }
0x27: {  	v2 =	vadd.s32 v1, v2  }
0x28: {  	[tilespmem:s7+$0x0] =	vst v2  }
0x29: {  	v3 =	vld.idx.msk [tilespmem:v3+s6+$0x0], $0xffff;
	_ =	sdelay $0x1  }
.Ltmp1:
0x2a: {  	(pc) =	sbr.rel @p0 .LBB2_2-.Ltmp1, $2  }
0x2b: {  	v2 =	vor.u32 s9, v0;
	_ =	sdelay $0x2  }
0x2c: {  	s10 =	smov.u32 s12;
	v3 =	vadd.s32 v1, v3  }
0x2d: {  	_ =	sdelay $0x2  }
0x2e: {  	[tilespmem:s8+$0x0] =	vst v3  }
0x2f: {  	v2 =	vld.idx.msk [tilespmem:v2+s6+$0x0], $0xffff  }
0x30: {  	s9 =	sadd.s32 $0x40, s9  }
0x31: {  	v0 =	vor.u32 s9, v0;
	_ =	sdelay $0x2  }
0x32: {  	s7 =	sadd.s32 $0x10, s7;
	v2 =	vadd.s32 v1, v2  }
0x33: {  	[tilespmem:s7+$0x0] =	vst v2  }
0x34: {  	v0 =	vld.idx.msk [tilespmem:v0+s6+$0x0], $0xffff;
	_ =	sdelay $0x4  }
0x35: {  	s22 =	sadd.s32 $0x10, s8;
	v0 =	vadd.s32 v1, v0  }
0x36: {  	s23 =	simm.s32 $0x80;
	s24 =	simm.s32 $0x180;
	[tilespmem:s22+$0x0] =	vst v0  }
0x37: {  	[tilespmem:s24], [sflag:$0x4] =	stream.indirect.gather [hbm4b:s5+s23], $0x1, s23, s23, $0xb8;
	[tilespmem:$0x16A0] =	vst v63  }
0x38: {  	s25 =	simm.s32 $0x100;
	s26 =	simm.s32 $0x200;
	s28 =	simm.s32 $0x2  }
0x39: {  	[tilespmem:s26], [sflag:$0x4] =	stream.indirect.gather [hbm4b:s5+s23], $0x1, s25, s23, $0xb8;
	[tilespmem:$0x16A0] =	vst v63  }
0x3a: {  	_ =	swait.ge [sflag:s28], $0x100  }
0x3b: {  	[sflag:s28] =	ssyncset.done $0x0  }
0x3c: {  	[sflag:s28] =	ssyncadd.s32 $0xFFFFFF00  }
0x3d: {  	v6 =	vld [tilespmem:$0x280]  }
0x3e: {  	v7 =	vld [tilespmem:$0x290]  }
0x3f: {  	v8 =	vld [tilespmem:$0x2A0]  }
0x40: {  	v9 =	vld [tilespmem:$0x2B0]  }
0x41: {  	v10 =	vld [tilespmem:$0x2C0]  }
0x42: {  	v11 =	vld [tilespmem:$0x2D0]  }
0x43: {  	v12 =	vld [tilespmem:$0x2E0]  }
0x44: {  	v13 =	vld [tilespmem:$0x2F0]  }
0x45: {  	v14 =	vld [tilespmem:$0x300]  }
0x46: {  	v15 =	vld [tilespmem:$0x310]  }
0x47: {  	v5 =	vld [tilespmem:$0x320]  }
0x48: {  	v4 =	vld [tilespmem:$0x330]  }
0x49: {  	v3 =	vld [tilespmem:$0x340]  }
0x4a: {  	v2 =	vld [tilespmem:$0x350]  }
0x4b: {  	s29 =	simm.s32 $0x3;
	v1 =	vld [tilespmem:$0x360]  }
0x4c: {  	v0 =	vld [tilespmem:$0x370];
	_ =	swait.ge [sflag:s29], $0x100  }
0x4d: {  	[sflag:s29] =	ssyncset.done $0x0  }
0x4e: {  	s30 =	simm.s32 $0x4;
	[sflag:s29] =	ssyncadd.s32 $0xFFFFFF00  }
0x4f: {  	_ =	swait.ge [sflag:s30], $0x80  }
0x50: {  	[sflag:s30] =	ssyncset.done $0x0  }
0x51: {  	[sflag:s30] =	ssyncadd.s32 $0xFFFFFF80  }
0x52: {  	_ =	swait.ge [sflag:s30], $0x80  }
0x53: {  	[sflag:s30] =	ssyncset.done $0x0  }
0x54: {  	[sflag:s30] =	ssyncadd.s32 $0xFFFFFF80  }
0x55: {  	v16 =	vld [tilespmem:$0x180]  }
0x56: {  	v17 =	vld [tilespmem:$0x380]  }
0x57: {  	v18 =	vld [tilespmem:$0x200]  }
0x58: {  	v19 =	vld [tilespmem:$0x400]  }
0x59: {  	v20 =	vld [tilespmem:$0x190]  }
0x5a: {  	v21 =	vld [tilespmem:$0x390]  }
0x5b: {  	v22 =	vld [tilespmem:$0x210]  }
0x5c: {  	v23 =	vld [tilespmem:$0x410]  }
0x5d: {  	v24 =	vld [tilespmem:$0x1A0]  }
0x5e: {  	v25 =	vld [tilespmem:$0x3A0]  }
0x5f: {  	v26 =	vld [tilespmem:$0x220]  }
0x60: {  	v27 =	vld [tilespmem:$0x420]  }
0x61: {  	v47 =	vld [tilespmem:$0x1B0]  }
0x62: {  	v50 =	vld [tilespmem:$0x3B0]  }
0x63: {  	v28 =	vld [tilespmem:$0x230]  }
0x64: {  	v51 =	vld [tilespmem:$0x430];
	v16 =	vmul.f32 v6, v16;
	v17 =	vmul.f32 v17, v6  }
0x65: {  	v52 =	vld [tilespmem:$0x1C0];
	v18 =	vmul.f32 v14, v18;
	v19 =	vmul.f32 v19, v14  }
0x66: {  	v29 =	vld [tilespmem:$0x2C0];
	v48 =	vmul.f32 v7, v20;
	v49 =	vmul.f32 v21, v7;
	v6 =	vadd.f32 $0.0e+00, v6  }
0x67: {  	v55 =	vld [tilespmem:$0x3C0];
	v22 =	vmul.f32 v15, v22;
	v16 =	vsub.f32 v16, v17;
	v18 =	vsub.f32 v18, v19  }
0x68: {  	v56 =	vld [tilespmem:$0x240];
	v23 =	vmul.f32 v23, v15;
	v53 =	vmul.f32 v8, v24;
	v19 =	vsub.f32 v48, v49  }
0x69: {  	v59 =	vld [tilespmem:$0x440];
	v6 =	vadd.f32 v7, v6;
	v16 =	vand.u32 $0x7FFFFFFF, v16;
	v18 =	vand.u32 $0x7FFFFFFF, v18  }
0x6a: {  	v60 =	vld [tilespmem:$0x1D0];
	v54 =	vmul.f32 v25, v8;
	v57 =	vmul.f32 v5, v26;
	v16 =	vadd.f32 v18, v16  }
0x6b: {  	v62 =	vld [tilespmem:$0x2D0];
	v22 =	vsub.f32 v22, v23;
	v19 =	vand.u32 $0x7FFFFFFF, v19;
	v6 =	vadd.f32 v8, v6  }
0x6c: {  	v63 =	vld [tilespmem:$0x3D0];
	v58 =	vmul.f32 v27, v5;
	v21 =	vmul.f32 v50, v9;
	v16 =	vadd.f32 v19, v16  }
0x6d: {  	v30 =	vld [tilespmem:$0x250];
	v22 =	vand.u32 $0x7FFFFFFF, v22;
	v6 =	vadd.f32 v9, v6;
	v19 =	vsub.f32 v53, v54  }
0x6e: {  	v32 =	vld [tilespmem:$0x350];
	v28 =	vmul.f32 v4, v28;
	v61 =	vsub.f32 v57, v58;
	v16 =	vadd.f32 v22, v16  }
0x6f: {  	v33 =	vld [tilespmem:$0x450];
	v17 =	vmul.f32 v9, v47;
	v6 =	vadd.f32 v10, v6;
	v19 =	vand.u32 $0x7FFFFFFF, v19  }
0x70: {  	v35 =	vld [tilespmem:$0x1E0];
	v20 =	vmul.f32 v51, v4;
	v34 =	vmul.f32 v55, v29;
	v16 =	vadd.f32 v19, v16  }
0x71: {  	v38 =	vld [tilespmem:$0x2E0];
	v17 =	vsub.f32 v17, v21;
	v31 =	vand.u32 $0x7FFFFFFF, v61;
	v6 =	vadd.f32 v11, v6  }
0x72: {  	v39 =	vld [tilespmem:$0x3E0];
	v36 =	vmul.f32 v3, v56;
	v18 =	vmul.f32 v29, v52;
	v16 =	vadd.f32 v31, v16  }
0x73: {  	v40 =	vld [tilespmem:$0x260];
	v17 =	vand.u32 $0x7FFFFFFF, v17;
	v19 =	vsub.f32 v28, v20;
	v6 =	vadd.f32 v12, v6  }
0x74: {  	v41 =	vld [tilespmem:$0x360];
	v37 =	vmul.f32 v59, v3;
	v42 =	vmul.f32 v32, v30;
	v16 =	vadd.f32 v17, v16  }
0x75: {  	v43 =	vld [tilespmem:$0x460];
	v18 =	vsub.f32 v18, v34;
	v19 =	vand.u32 $0x7FFFFFFF, v19;
	v6 =	vadd.f32 v13, v6  }
0x76: {  	v44 =	vld [tilespmem:$0x1F0];
	v7 =	vmul.f32 v62, v60;
	v8 =	vmul.f32 v63, v62;
	v16 =	vadd.f32 v19, v16  }
0x77: {  	v46 =	vld [tilespmem:$0x2F0];
	v18 =	vand.u32 $0x7FFFFFFF, v18;
	v17 =	vsub.f32 v36, v37;
	v6 =	vadd.f32 v14, v6  }
0x78: {  	v51 =	vld [tilespmem:$0x470];
	v9 =	vmul.f32 v33, v32;
	v7 =	vsub.f32 v7, v8;
	v16 =	vadd.f32 v18, v16  }
0x79: {  	v47 =	vld [tilespmem:$0x3F0];
	v17 =	vand.u32 $0x7FFFFFFF, v17;
	v6 =	vadd.f32 v15, v6  }
0x7a: {  	v48 =	vld [tilespmem:$0x270];
	v9 =	vsub.f32 v42, v9;
	v7 =	vand.u32 $0x7FFFFFFF, v7;
	v45 =	vadd.f32 v17, v16  }
0x7b: {  	v49 =	vld [tilespmem:$0x370];
	v10 =	vmul.f32 v38, v35;
	v11 =	vmul.f32 v39, v38;
	v5 =	vadd.f32 v5, v6  }
0x7c: {  	v50 =	vmul.f32 v41, v40;
	v9 =	vand.u32 $0x7FFFFFFF, v9;
	v7 =	vadd.f32 v7, v45  }
0x7d: {  	v12 =	vmul.f32 v43, v41;
	v10 =	vsub.f32 v10, v11;
	v4 =	vadd.f32 v4, v5  }
0x7e: {  	v8 =	vmul.f32 v46, v44;
	v53 =	vmul.f32 v47, v46;
	v7 =	vadd.f32 v9, v7  }
0x7f: {  	v52 =	vsub.f32 v50, v12;
	v10 =	vand.u32 $0x7FFFFFFF, v10;
	v3 =	vadd.f32 v3, v4  }
0x80: {  	v56 =	vmul.f32 v49, v48;
	v57 =	vmul.f32 v51, v49;
	v54 =	vadd.f32 v10, v7  }
0x81: {  	v55 =	vsub.f32 v8, v53;
	v6 =	vand.u32 $0x7FFFFFFF, v52;
	v2 =	vadd.f32 v2, v3  }
0x82: {  	v58 =	vadd.f32 v6, v54  }
0x83: {  	v60 =	vsub.f32 v56, v57;
	v59 =	vand.u32 $0x7FFFFFFF, v55;
	v1 =	vadd.f32 v1, v2  }
0x84: {  	v61 =	vadd.f32 v59, v58  }
0x85: {  	v62 =	vand.u32 $0x7FFFFFFF, v60;
	v0 =	vadd.f32 v0, v1  }
0x86: {  	v63 =	vadd.f32 v62, v61  }
0x87: {  	[tilespmem:$0x500] =	vst v0  }
0x88: {  	s31 =	simm.s32 $0x480;
	[tilespmem:$0x480] =	vst v63  }
0x89: {  	[spmem:s4] =	stream.linear.scatter [tilespmem:s31], [sflag:$0x5], $0x100, $0x38;
	[tilespmem:$0x16A0] =	vst v63  }
0x8a: {  	p0 =	sne.s32 s2, $0x0;
	s4 =	simm.s32 $0x5  }
.Ltmp2:
0x8b: {  	_ =	swait.ge [sflag:s4], $0x100;
	(pc) =	sbr.rel @p0 .LBB2_5-.Ltmp2, $3  }
0x8c: {  	[sflag:s4] =	ssyncset.done $0x0  }
0x8d: {  	[sflag:s4] =	ssyncadd.s32 $0xFFFFFF00  }
0x8e: {  	[bflag:$0x0] =	sbarrier.arrive $0xFFFF;
	_ =	sdelay $0x1  }
0x8f: {  	s5 =	simm.s32 $0x580  }
0x90: {  	[tilespmem:s5], [sflag:$0x5] =	stream.linear.gather [spmem:s3], $0x1000, $0x38;
	[tilespmem:$0x16A0] =	vst v63  }
0x91: {  	_ =	swait.ge [sflag:s4], $0x1000  }
0x92: {  	[sflag:s4] =	ssyncset.done $0x0  }
0x93: {  	[sflag:s4] =	ssyncadd.s32 $0xFFFFF000  }
0x94: {  	v0 =	vld [tilespmem:$0x580]  }
0x95: {  	v1 =	vld [tilespmem:$0x600]  }
0x96: {  	v2 =	vld [tilespmem:$0x680]  }
0x97: {  	v3 =	vld [tilespmem:$0x700]  }
0x98: {  	v4 =	vld [tilespmem:$0x780]  }
0x99: {  	v5 =	vld [tilespmem:$0x800];
	v0 =	vadd.f32 $0.0e+00, v0  }
0x9a: {  	v6 =	vld [tilespmem:$0x880];
	v1 =	vadd.f32 $0.0e+00, v1  }
0x9b: {  	v39 =	vld [tilespmem:$0x900];
	v0 =	vadd.f32 v2, v0  }
0x9c: {  	v40 =	vld [tilespmem:$0x980];
	v1 =	vadd.f32 v3, v1  }
0x9d: {  	v41 =	vld [tilespmem:$0xA00];
	v0 =	vadd.f32 v4, v0  }
0x9e: {  	v42 =	vld [tilespmem:$0xA80];
	v1 =	vadd.f32 v5, v1  }
0x9f: {  	v43 =	vld [tilespmem:$0xB00];
	v0 =	vadd.f32 v6, v0  }
0xa0: {  	v44 =	vld [tilespmem:$0xB80];
	v1 =	vadd.f32 v39, v1  }
0xa1: {  	v45 =	vld [tilespmem:$0xC00];
	v0 =	vadd.f32 v40, v0  }
0xa2: {  	v46 =	vld [tilespmem:$0xC80];
	v1 =	vadd.f32 v41, v1  }
0xa3: {  	v47 =	vld [tilespmem:$0xD00];
	v0 =	vadd.f32 v42, v0  }
0xa4: {  	v48 =	vld [tilespmem:$0xD80];
	v1 =	vadd.f32 v43, v1  }
0xa5: {  	v49 =	vld [tilespmem:$0xE00];
	v0 =	vadd.f32 v44, v0  }
0xa6: {  	v50 =	vld [tilespmem:$0xE80];
	v1 =	vadd.f32 v45, v1  }
0xa7: {  	v51 =	vld [tilespmem:$0xF00];
	v0 =	vadd.f32 v46, v0  }
0xa8: {  	v52 =	vld [tilespmem:$0xF80];
	v1 =	vadd.f32 v47, v1  }
0xa9: {  	v53 =	vld [tilespmem:$0x1000];
	v0 =	vadd.f32 v48, v0  }
0xaa: {  	v54 =	vld [tilespmem:$0x1080];
	v1 =	vadd.f32 v49, v1  }
0xab: {  	v55 =	vld [tilespmem:$0x1100];
	v0 =	vadd.f32 v50, v0  }
0xac: {  	v56 =	vld [tilespmem:$0x1180];
	v1 =	vadd.f32 v51, v1  }
0xad: {  	v57 =	vld [tilespmem:$0x1200];
	v0 =	vadd.f32 v52, v0  }
0xae: {  	v58 =	vld [tilespmem:$0x1280];
	v1 =	vadd.f32 v53, v1  }
0xaf: {  	v59 =	vld [tilespmem:$0x1300];
	v0 =	vadd.f32 v54, v0  }
0xb0: {  	v60 =	vld [tilespmem:$0x1380];
	v1 =	vadd.f32 v55, v1  }
0xb1: {  	v61 =	vld [tilespmem:$0x1400];
	v0 =	vadd.f32 v56, v0  }
0xb2: {  	v62 =	vld [tilespmem:$0x1480];
	v1 =	vadd.f32 v57, v1  }
0xb3: {  	v63 =	vld [tilespmem:$0x1500];
	v0 =	vadd.f32 v58, v0  }
0xb4: {  	v1 =	vadd.f32 v59, v1  }
0xb5: {  	v0 =	vadd.f32 v60, v0  }
0xb6: {  	v1 =	vadd.f32 v61, v1  }
0xb7: {  	v0 =	vadd.f32 v62, v0  }
0xb8: {  	v1 =	vadd.f32 v63, v1  }
0xb9: {  	(xrf2) =	vadd.scan.msk.f32 $0xffff, v0  }
0xba: {  	(xrf2) =	vadd.scan.msk.f32 $0xffff, v1;
	_ =	sdelay $0x8  }
0xbb: {  	v0, _, _ =	vpop (xrf2)  }
0xbc: {  	v1, _, _ =	vpop (xrf2)  }
0xbd: {  	v1 =	vadd.f32 $9.999999740e-05, v1;
	_ =	sdelay $0x1  }
0xbe: {  	v1 =	vbroadcast v1, $0xF;
	_ =	sdelay $0x1  }
0xbf: {  	(erf) = vrcp.f32 v1;
	_ =	sdelay $0x7  }
0xc0: {  	v0 =	vbroadcast v0, $0xF  }
0xc1: {  	v1 =	vpop (erf)  }
0xc2: {  	v0 =	vmul.f32 v1, v0;
	_ =	sdelay $0x1  }
0xc3: {  	s30 =	simm.s32 $0x0;
	s31 =	simm.s32 $0x1580;
	[tilespmem:$0x1580] =	vst v0  }
0xc4: {  	[hbm4b:s1+s30] =	stream.linear.scatter [tilespmem:s31], [sflag:$0x5], $0x80, $0x38;
	[tilespmem:$0x16A0] =	vst v63  }
0xc5: {  	_ =	swait.ge [sflag:s4], $0x80  }
0xc6: {  	[sflag:s4] =	ssyncset.done $0x0  }
0xc7: {  	[sflag:s4] =	ssyncadd.s32 $0xFFFFFF80  }
.LBB2_5:
0xc8: {  	_ =	sfence.sel $0x180000  }
0xc9: {  	[bflag:$0x0] =	sbarrier.arrive $0xFFFF  }
0xca: {  	p0 =	sne.s32 s2, $0x0;
	_ =	strace $0x90000047  }
0xcb: {  	s0 =	sadd.s32 @!p0 $0x100000, s0;
	[bflag:$0x2] =	sbarrier.arrive $0xFFFF  }
0xcc: {  	[sflag:s0] =	ssyncadd.tile.s32 @!p0 $0x1;
	_ =	shalt  }
.Lfunc_end2:
_tile_overlayer_lowered:
.L_overlay_start_2:
0xcd: {  	(tag) =	ssettag $0x2  }
0xce: {  	s0 =	rddreg [dreg:$0x0];
	s2 =	stileid.u32  }
0xcf: {  	s1 =	rddreg [dreg:$0x1];
	p0 =	sne.s32 s2, $0x0  }
0xd0: {  	s3 =	rddreg [dreg:$0x2];
	[bflag:$0x3] =	sbarrier.arrive $0xFFFF;
	s2 =	simm.s32 @!p0 $0x1C05  }
0xd1: {  	[timem:s3], [sflag:s2] =	dma.local @!p0 [hbm:s0], s1  }
0xd2: {  	s0 =	simm.s32 @!p0 $0x5  }
0xd3: {  	_ =	swait.ge @!p0 [sflag:s0], s1  }
0xd4: {  	s1 =	ssub.s32 @!p0 $0x0, s1;
	[sflag:s0] =	ssyncset.done @!p0 $0x0  }
0xd5: {  	[sflag:s0] =	ssyncadd.s32 @!p0 s1  }
0xd6: {  	[bflag:$0x3] =	sbarrier.arrive $0xFFFF  }
0xd7: {  	_ =	shalt  }

</sc_bundles>
